<compile_context>
chip_gen: v7x
topology: tpu7x:2x2x1
jax: 0.10.2.dev20260603
libtpu: 0.0.44.dev20260713+nightly
codegen_flags: <defaults>
</compile_context>

<pallas_src>
import jax
import jax.numpy as jnp
from jax import lax
from jax.experimental import pallas as pl
from jax.experimental.pallas import tpu as pltpu
from jax.experimental.pallas import tpu_sc as plsc

VOCAB = 1_000_000
D = 64
DP = 128
NB = 4096
NT = 200

NC = 2
NS = 16
NW = NC * NS
BC = 128
NBUF = 4


def _body(ids_hbm, w_hbm, out_hbm, idx_v, rows_v, *sems):
  wid = lax.axis_index("s") * NC + lax.axis_index("c")
  b0 = wid * BC
  gsem = sems[:NBUF]
  ssem = sems[NBUF:]

  pltpu.sync_copy(ids_hbm.at[:, pl.ds(b0, BC)], idx_v)

  def gather_desc(u, b):
    return pltpu.make_async_copy(
        w_hbm.at[idx_v.at[u]], rows_v.at[b], gsem[b])

  def store_desc(u, b):
    return pltpu.make_async_copy(rows_v.at[b], out_hbm.at[u, wid], ssem[b])

  def unit(u, b):
    gather_desc(u, b).wait()
    store_desc(u, b).start()
    nxt = u + 2
    bn = (b + 2) % NBUF

    @pl.when(nxt < NT)
    def _():
      @pl.when(nxt >= NBUF)
      def _():
        store_desc(nxt - NBUF, bn).wait()

      gather_desc(nxt, bn).start()

  gather_desc(0, 0).start()
  gather_desc(1, 1).start()

  def group(g, carry):
    for i in range(NBUF):
      unit(g * NBUF + i, i)
    return carry

  lax.fori_loop(0, NT // NBUF, group, 0)

  for i in range(NBUF):
    store_desc(NT - NBUF + i, (NT - NBUF + i) % NBUF).wait()


@jax.jit
def _embed(ids_t, w_pad):
  mesh = plsc.VectorSubcoreMesh(core_axis_name="c", subcore_axis_name="s")
  k = pl.kernel(
      _body,
      out_type=jax.ShapeDtypeStruct((NT, NW, BC, DP), jnp.float32),
      mesh=mesh,
      scratch_types=[
          pltpu.VMEM((NT, BC), jnp.int32),
          pltpu.VMEM((NBUF, BC, DP), jnp.float32),
      ] + [pltpu.SemaphoreType.DMA] * (2 * NBUF),
  )
  return k(ids_t, w_pad)


def kernel(input_ids, weight):
  ids_t = jnp.transpose(input_ids.astype(jnp.int32), (1, 0))
  w_pad = jnp.pad(weight, ((0, 0), (0, DP - D)))
  o = _embed(ids_t, w_pad)
  return jnp.transpose(o[..., :D], (1, 2, 0, 3)).reshape(NB, NT, D)

# --- scband reference (transcript-rebuilt; emitter-appended) ---
"""Pipeline reference for scband-manual-embedding-18571438588447 (READ-ONLY COPY).

The authoritative reference and input builder live on the scoring server;
editing this copy changes nothing except your own understanding.
"""

import jax, jax.numpy as jnp
import numpy as np

VOCAB_SIZE = 1000000
D_MODEL = 64

def setup_inputs(seed: int = 0) -> dict:
    key = jax.random.key(seed)
    k1, k2 = jax.random.split(key)
    input_ids = jax.random.randint(k1, (4096, 200), 0, VOCAB_SIZE, dtype=jnp.int64 if jax.config.read('jax_enable_x64') else jnp.int32)
    weight = jax.random.normal(k2, (VOCAB_SIZE, D_MODEL), dtype=jnp.float32) * 0.02
    return {"input_ids": input_ids, "weight": weight}

def reference(input_ids, weight):
    # Faithful translation of F.embedding(input_ids, self.weight)
    return jnp.take(weight, input_ids, axis=0)

if __name__ == "__main__":
    import jax
    _d = setup_inputs()
    print(jax.jit(kernel)(*tuple(_d.values())))

</pallas_src>

<mosaic_0001>
#map = affine_map<(d0, d1) -> (0, 0)>
#map1 = affine_map<(d0, d1) -> (0, 0, 0, 0)>
module attributes {stable_mosaic.version = 14 : i64} {
  func.func @_body(%arg0: i32, %arg1: i32, %arg2: memref<200x4096xi32, #tpu.memory_space<hbm>>, %arg3: memref<1000000x128xf32, #tpu.memory_space<hbm>>, %arg4: memref<200x32x128x128xf32, #tpu.memory_space<hbm>>, %arg5: memref<200x128xi32, #tpu.memory_space<vmem>>, %arg6: memref<4x128x128xf32, #tpu.memory_space<vmem>>, %arg7: memref<!tpu.dma_semaphore, #tpu.memory_space<semaphore_mem>>, %arg8: memref<!tpu.dma_semaphore, #tpu.memory_space<semaphore_mem>>, %arg9: memref<!tpu.dma_semaphore, #tpu.memory_space<semaphore_mem>>, %arg10: memref<!tpu.dma_semaphore, #tpu.memory_space<semaphore_mem>>, %arg11: memref<!tpu.dma_semaphore, #tpu.memory_space<semaphore_mem>>, %arg12: memref<!tpu.dma_semaphore, #tpu.memory_space<semaphore_mem>>, %arg13: memref<!tpu.dma_semaphore, #tpu.memory_space<semaphore_mem>>, %arg14: memref<!tpu.dma_semaphore, #tpu.memory_space<semaphore_mem>>) attributes {dimension_semantics = [#tpu.dimension_semantics<core_parallel>, #tpu.dimension_semantics<subcore_parallel>], iteration_bounds = array<i64: 2, 16>, scalar_prefetch = 0 : i64, scratch_operands = 10 : i64, tpu.core_type = #tpu.core_type<sc_vector_subcore>, window_params = [{transform_indices = #map}, {transform_indices = #map}, {transform_indices = #map1}]} {
    %mul3A = arith.constant 2 : i32
    %mul3A_0 = arith.muli %arg1, %mul3A : i32
    %add3A = arith.addi %mul3A_0, %arg0 : i32
    %mul3A_1 = arith.constant 128 : i32
    %mul3A_2 = arith.muli %add3A, %mul3A_1 : i32
    "tpu.region"() ({
      %run_scoped3A = tpu.sem_alloc : memref<!tpu.dma_semaphore, #tpu.memory_space<semaphore_mem>>
      %dma_start3A_102 = arith.constant 0 : i32
      %dma_start3A_103 = tpu.memref_slice %arg2[%dma_start3A_102, %mul3A_2] : memref<200x4096xi32, #tpu.memory_space<hbm>> -> memref<200x128xi32, #tpu.memory_space<hbm>>
      %dma_start3A_104 = arith.constant 0 : i32
      %dma_start3A_105 = tpu.memref_slice %arg2[%dma_start3A_104, %mul3A_2] : memref<200x4096xi32, #tpu.memory_space<hbm>> -> memref<200x128xi32, #tpu.memory_space<hbm>>
      tpu.enqueue_dma source(%dma_start3A_105 : memref<200x128xi32, #tpu.memory_space<hbm>>) target(%arg5 : memref<200x128xi32, #tpu.memory_space<vmem>>) target_semaphore(%run_scoped3A : memref<!tpu.dma_semaphore, #tpu.memory_space<semaphore_mem>>)
      %dma_wait3A_106 = arith.constant 0 : i32
      %dma_wait3A_107 = tpu.memref_slice %arg2[%dma_wait3A_106, %mul3A_2] : memref<200x4096xi32, #tpu.memory_space<hbm>> -> memref<200x128xi32, #tpu.memory_space<hbm>>
      %dma_wait3A_108 = arith.constant 0 : i32
      %dma_wait3A_109 = tpu.memref_slice %arg2[%dma_wait3A_108, %mul3A_2] : memref<200x4096xi32, #tpu.memory_space<hbm>> -> memref<200x128xi32, #tpu.memory_space<hbm>>
      tpu.wait_dma2 semaphore(%run_scoped3A : memref<!tpu.dma_semaphore, #tpu.memory_space<semaphore_mem>>) src(%dma_wait3A_109 : memref<200x128xi32, #tpu.memory_space<hbm>>) dst(%arg5 : memref<200x128xi32, #tpu.memory_space<vmem>>)
      tpu.yield
    }) : () -> ()
    %dma_start3A = arith.constant 0 : i32
    %dma_start3A_3 = arith.constant 0 : i32
    %dma_start3A_4 = arith.constant 0 : i32
    %dma_start3A_5 = arith.constant 0 : i32
    %dma_start3A_6 = tpu.memref_slice %arg6[%dma_start3A_3, %dma_start3A_4, %dma_start3A_5] : memref<4x128x128xf32, #tpu.memory_space<vmem>> -> memref<1x128x128xf32, #tpu.memory_space<vmem>>
    %dma_start3A_7 = tpu.memref_squeeze %dma_start3A_6 : memref<1x128x128xf32, #tpu.memory_space<vmem>> -> memref<128x128xf32, #tpu.memory_space<vmem>>
    %dma_start3A_8 = arith.constant 0 : i32
    %dma_start3A_9 = tpu.memref_slice %arg5[%dma_start3A, %dma_start3A_8] : memref<200x128xi32, #tpu.memory_space<vmem>> -> memref<1x128xi32, #tpu.memory_space<vmem>>
    %dma_start3A_10 = tpu.memref_squeeze %dma_start3A_9 : memref<1x128xi32, #tpu.memory_space<vmem>> -> memref<128xi32, #tpu.memory_space<vmem>>
    %dma_start3A_11 = arith.constant 0 : i32
    %dma_start3A_12 = arith.constant 0 : i32
    %dma_start3A_13 = tpu.memref_slice %arg3[%dma_start3A_11, %dma_start3A_12] : memref<1000000x128xf32, #tpu.memory_space<hbm>> -> memref<1000000x128xf32, #tpu.memory_space<hbm>>
    tpu.enqueue_indirect_dma source(%dma_start3A_13 : memref<1000000x128xf32, #tpu.memory_space<hbm>>) target(%dma_start3A_7 : memref<128x128xf32, #tpu.memory_space<vmem>>) offsets(%dma_start3A_10 : memref<128xi32, #tpu.memory_space<vmem>>) semaphore(%arg7 : memref<!tpu.dma_semaphore, #tpu.memory_space<semaphore_mem>>)
    %dma_start3A_14 = arith.constant 1 : i32
    %dma_start3A_15 = arith.constant 1 : i32
    %dma_start3A_16 = arith.constant 0 : i32
    %dma_start3A_17 = arith.constant 0 : i32
    %dma_start3A_18 = tpu.memref_slice %arg6[%dma_start3A_15, %dma_start3A_16, %dma_start3A_17] : memref<4x128x128xf32, #tpu.memory_space<vmem>> -> memref<1x128x128xf32, #tpu.memory_space<vmem>>
    %dma_start3A_19 = tpu.memref_squeeze %dma_start3A_18 : memref<1x128x128xf32, #tpu.memory_space<vmem>> -> memref<128x128xf32, #tpu.memory_space<vmem>>
    %dma_start3A_20 = arith.constant 0 : i32
    %dma_start3A_21 = tpu.memref_slice %arg5[%dma_start3A_14, %dma_start3A_20] : memref<200x128xi32, #tpu.memory_space<vmem>> -> memref<1x128xi32, #tpu.memory_space<vmem>>
    %dma_start3A_22 = tpu.memref_squeeze %dma_start3A_21 : memref<1x128xi32, #tpu.memory_space<vmem>> -> memref<128xi32, #tpu.memory_space<vmem>>
    %dma_start3A_23 = arith.constant 0 : i32
    %dma_start3A_24 = arith.constant 0 : i32
    %dma_start3A_25 = tpu.memref_slice %arg3[%dma_start3A_23, %dma_start3A_24] : memref<1000000x128xf32, #tpu.memory_space<hbm>> -> memref<1000000x128xf32, #tpu.memory_space<hbm>>
    tpu.enqueue_indirect_dma source(%dma_start3A_25 : memref<1000000x128xf32, #tpu.memory_space<hbm>>) target(%dma_start3A_19 : memref<128x128xf32, #tpu.memory_space<vmem>>) offsets(%dma_start3A_22 : memref<128xi32, #tpu.memory_space<vmem>>) semaphore(%arg8 : memref<!tpu.dma_semaphore, #tpu.memory_space<semaphore_mem>>)
    %scan3A = arith.constant 0 : i32
    %scan3A_26 = arith.constant 0 : i32
    %scan3A_27 = arith.constant 50 : i32
    %scan3A_28 = arith.addi %scan3A_26, %scan3A_27 : i32
    %scan3A_29 = arith.constant 1 : i32
    scf.for %scan3A_102 = %scan3A_26 to %scan3A_28 step %scan3A_29  : i32 {
      %mul3A_103 = arith.constant 4 : i32
      %mul3A_104 = arith.muli %scan3A_102, %mul3A_103 : i32
      %add3A_105 = arith.constant 0 : i32
      %add3A_106 = arith.addi %mul3A_104, %add3A_105 : i32
      %dma_wait3A_107 = arith.constant 0 : i32
      %dma_wait3A_108 = arith.constant 0 : i32
      %dma_wait3A_109 = arith.constant 0 : i32
      %dma_wait3A_110 = tpu.memref_slice %arg6[%dma_wait3A_107, %dma_wait3A_108, %dma_wait3A_109] : memref<4x128x128xf32, #tpu.memory_space<vmem>> -> memref<1x128x128xf32, #tpu.memory_space<vmem>>
      %dma_wait3A_111 = tpu.memref_squeeze %dma_wait3A_110 : memref<1x128x128xf32, #tpu.memory_space<vmem>> -> memref<128x128xf32, #tpu.memory_space<vmem>>
      %dma_wait3A_112 = arith.constant 0 : i32
      %dma_wait3A_113 = tpu.memref_slice %arg5[%add3A_106, %dma_wait3A_112] : memref<200x128xi32, #tpu.memory_space<vmem>> -> memref<1x128xi32, #tpu.memory_space<vmem>>
      %dma_wait3A_114 = tpu.memref_squeeze %dma_wait3A_113 : memref<1x128xi32, #tpu.memory_space<vmem>> -> memref<128xi32, #tpu.memory_space<vmem>>
      %dma_wait3A_115 = arith.constant 0 : i32
      %dma_wait3A_116 = arith.constant 0 : i32
      %dma_wait3A_117 = tpu.memref_slice %arg3[%dma_wait3A_115, %dma_wait3A_116] : memref<1000000x128xf32, #tpu.memory_space<hbm>> -> memref<1000000x128xf32, #tpu.memory_space<hbm>>
      tpu.wait_indirect_dma semaphore(%arg7 : memref<!tpu.dma_semaphore, #tpu.memory_space<semaphore_mem>>) src(%dma_wait3A_117 : memref<1000000x128xf32, #tpu.memory_space<hbm>>) dst(%dma_wait3A_111 : memref<128x128xf32, #tpu.memory_space<vmem>>)
      %dma_start3A_118 = arith.constant 0 : i32
      %dma_start3A_119 = arith.constant 0 : i32
      %dma_start3A_120 = arith.constant 0 : i32
      %dma_start3A_121 = tpu.memref_slice %arg6[%dma_start3A_118, %dma_start3A_119, %dma_start3A_120] : memref<4x128x128xf32, #tpu.memory_space<vmem>> -> memref<1x128x128xf32, #tpu.memory_space<vmem>>
      %dma_start3A_122 = tpu.memref_squeeze %dma_start3A_121 : memref<1x128x128xf32, #tpu.memory_space<vmem>> -> memref<128x128xf32, #tpu.memory_space<vmem>>
      %dma_start3A_123 = arith.constant 0 : i32
      %dma_start3A_124 = arith.constant 0 : i32
      %dma_start3A_125 = tpu.memref_slice %arg4[%add3A_106, %add3A, %dma_start3A_123, %dma_start3A_124] : memref<200x32x128x128xf32, #tpu.memory_space<hbm>> -> memref<1x1x128x128xf32, #tpu.memory_space<hbm>>
      %dma_start3A_126 = tpu.memref_squeeze %dma_start3A_125 : memref<1x1x128x128xf32, #tpu.memory_space<hbm>> -> memref<128x128xf32, #tpu.memory_space<hbm>>
      %dma_start3A_127 = arith.constant 0 : i32
      %dma_start3A_128 = arith.constant 0 : i32
      %dma_start3A_129 = tpu.memref_slice %arg4[%add3A_106, %add3A, %dma_start3A_127, %dma_start3A_128] : memref<200x32x128x128xf32, #tpu.memory_space<hbm>> -> memref<1x1x128x128xf32, #tpu.memory_space<hbm>>
      %dma_start3A_130 = tpu.memref_squeeze %dma_start3A_129 : memref<1x1x128x128xf32, #tpu.memory_space<hbm>> -> memref<128x128xf32, #tpu.memory_space<hbm>>
      %dma_start3A_131 = arith.constant 0 : i32
      %dma_start3A_132 = arith.constant 0 : i32
      %dma_start3A_133 = tpu.memref_slice %arg6[%dma_start3A_118, %dma_start3A_131, %dma_start3A_132] : memref<4x128x128xf32, #tpu.memory_space<vmem>> -> memref<1x128x128xf32, #tpu.memory_space<vmem>>
      %dma_start3A_134 = tpu.memref_squeeze %dma_start3A_133 : memref<1x128x128xf32, #tpu.memory_space<vmem>> -> memref<128x128xf32, #tpu.memory_space<vmem>>
      tpu.enqueue_dma source(%dma_start3A_134 : memref<128x128xf32, #tpu.memory_space<vmem>>) target(%dma_start3A_130 : memref<128x128xf32, #tpu.memory_space<hbm>>) target_semaphore(%arg11 : memref<!tpu.dma_semaphore, #tpu.memory_space<semaphore_mem>>)
      %add3A_135 = arith.constant 2 : i32
      %add3A_136 = arith.addi %add3A_106, %add3A_135 : i32
      %lt3A = arith.constant 200 : i32
      %lt3A_137 = arith.cmpi slt, %add3A_136, %lt3A : i32
      %convert_element_type3A = arith.extui %lt3A_137 : i1 to i32
      %cond3A = arith.constant 0 : i32
      %cond3A_138 = arith.cmpi ne, %convert_element_type3A, %cond3A : i32
      scf.if %cond3A_138 {
        %ge3A = arith.constant 4 : i32
        %ge3A_256 = arith.cmpi sge, %add3A_136, %ge3A : i32
        %convert_element_type3A_257 = arith.extui %ge3A_256 : i1 to i32
        %cond3A_258 = arith.constant 0 : i32
        %cond3A_259 = arith.cmpi ne, %convert_element_type3A_257, %cond3A_258 : i32
        scf.if %cond3A_259 {
          %sub3A = arith.constant 4 : i32
          %sub3A_271 = arith.subi %add3A_136, %sub3A : i32
          %dma_wait3A_272 = arith.constant 2 : i32
          %dma_wait3A_273 = arith.constant 0 : i32
          %dma_wait3A_274 = arith.constant 0 : i32
          %dma_wait3A_275 = tpu.memref_slice %arg6[%dma_wait3A_272, %dma_wait3A_273, %dma_wait3A_274] : memref<4x128x128xf32, #tpu.memory_space<vmem>> -> memref<1x128x128xf32, #tpu.memory_space<vmem>>
          %dma_wait3A_276 = tpu.memref_squeeze %dma_wait3A_275 : memref<1x128x128xf32, #tpu.memory_space<vmem>> -> memref<128x128xf32, #tpu.memory_space<vmem>>
          %dma_wait3A_277 = arith.constant 0 : i32
          %dma_wait3A_278 = arith.constant 0 : i32
          %dma_wait3A_279 = tpu.memref_slice %arg4[%sub3A_271, %add3A, %dma_wait3A_277, %dma_wait3A_278] : memref<200x32x128x128xf32, #tpu.memory_space<hbm>> -> memref<1x1x128x128xf32, #tpu.memory_space<hbm>>
          %dma_wait3A_280 = tpu.memref_squeeze %dma_wait3A_279 : memref<1x1x128x128xf32, #tpu.memory_space<hbm>> -> memref<128x128xf32, #tpu.memory_space<hbm>>
          %dma_wait3A_281 = arith.constant 0 : i32
          %dma_wait3A_282 = arith.constant 0 : i32
          %dma_wait3A_283 = tpu.memref_slice %arg4[%sub3A_271, %add3A, %dma_wait3A_281, %dma_wait3A_282] : memref<200x32x128x128xf32, #tpu.memory_space<hbm>> -> memref<1x1x128x128xf32, #tpu.memory_space<hbm>>
          %dma_wait3A_284 = tpu.memref_squeeze %dma_wait3A_283 : memref<1x1x128x128xf32, #tpu.memory_space<hbm>> -> memref<128x128xf32, #tpu.memory_space<hbm>>
          %dma_wait3A_285 = arith.constant 0 : i32
          %dma_wait3A_286 = arith.constant 0 : i32
          %dma_wait3A_287 = tpu.memref_slice %arg6[%dma_wait3A_272, %dma_wait3A_285, %dma_wait3A_286] : memref<4x128x128xf32, #tpu.memory_space<vmem>> -> memref<1x128x128xf32, #tpu.memory_space<vmem>>
          %dma_wait3A_288 = tpu.memref_squeeze %dma_wait3A_287 : memref<1x128x128xf32, #tpu.memory_space<vmem>> -> memref<128x128xf32, #tpu.memory_space<vmem>>
          tpu.wait_dma2 semaphore(%arg13 : memref<!tpu.dma_semaphore, #tpu.memory_space<semaphore_mem>>) src(%dma_wait3A_288 : memref<128x128xf32, #tpu.memory_space<vmem>>) dst(%dma_wait3A_284 : memref<128x128xf32, #tpu.memory_space<hbm>>)
        } else {
        }
        %dma_start3A_260 = arith.constant 2 : i32
        %dma_start3A_261 = arith.constant 0 : i32
        %dma_start3A_262 = arith.constant 0 : i32
        %dma_start3A_263 = tpu.memref_slice %arg6[%dma_start3A_260, %dma_start3A_261, %dma_start3A_262] : memref<4x128x128xf32, #tpu.memory_space<vmem>> -> memref<1x128x128xf32, #tpu.memory_space<vmem>>
        %dma_start3A_264 = tpu.memref_squeeze %dma_start3A_263 : memref<1x128x128xf32, #tpu.memory_space<vmem>> -> memref<128x128xf32, #tpu.memory_space<vmem>>
        %dma_start3A_265 = arith.constant 0 : i32
        %dma_start3A_266 = tpu.memref_slice %arg5[%add3A_136, %dma_start3A_265] : memref<200x128xi32, #tpu.memory_space<vmem>> -> memref<1x128xi32, #tpu.memory_space<vmem>>
        %dma_start3A_267 = tpu.memref_squeeze %dma_start3A_266 : memref<1x128xi32, #tpu.memory_space<vmem>> -> memref<128xi32, #tpu.memory_space<vmem>>
        %dma_start3A_268 = arith.constant 0 : i32
        %dma_start3A_269 = arith.constant 0 : i32
        %dma_start3A_270 = tpu.memref_slice %arg3[%dma_start3A_268, %dma_start3A_269] : memref<1000000x128xf32, #tpu.memory_space<hbm>> -> memref<1000000x128xf32, #tpu.memory_space<hbm>>
        tpu.enqueue_indirect_dma source(%dma_start3A_270 : memref<1000000x128xf32, #tpu.memory_space<hbm>>) target(%dma_start3A_264 : memref<128x128xf32, #tpu.memory_space<vmem>>) offsets(%dma_start3A_267 : memref<128xi32, #tpu.memory_space<vmem>>) semaphore(%arg9 : memref<!tpu.dma_semaphore, #tpu.memory_space<semaphore_mem>>)
      } else {
      }
      %mul3A_139 = arith.constant 4 : i32
      %mul3A_140 = arith.muli %scan3A_102, %mul3A_139 : i32
      %add3A_141 = arith.constant 1 : i32
      %add3A_142 = arith.addi %mul3A_140, %add3A_141 : i32
      %dma_wait3A_143 = arith.constant 1 : i32
      %dma_wait3A_144 = arith.constant 0 : i32
      %dma_wait3A_145 = arith.constant 0 : i32
      %dma_wait3A_146 = tpu.memref_slice %arg6[%dma_wait3A_143, %dma_wait3A_144, %dma_wait3A_145] : memref<4x128x128xf32, #tpu.memory_space<vmem>> -> memref<1x128x128xf32, #tpu.memory_space<vmem>>
      %dma_wait3A_147 = tpu.memref_squeeze %dma_wait3A_146 : memref<1x128x128xf32, #tpu.memory_space<vmem>> -> memref<128x128xf32, #tpu.memory_space<vmem>>
      %dma_wait3A_148 = arith.constant 0 : i32
      %dma_wait3A_149 = tpu.memref_slice %arg5[%add3A_142, %dma_wait3A_148] : memref<200x128xi32, #tpu.memory_space<vmem>> -> memref<1x128xi32, #tpu.memory_space<vmem>>
      %dma_wait3A_150 = tpu.memref_squeeze %dma_wait3A_149 : memref<1x128xi32, #tpu.memory_space<vmem>> -> memref<128xi32, #tpu.memory_space<vmem>>
      %dma_wait3A_151 = arith.constant 0 : i32
      %dma_wait3A_152 = arith.constant 0 : i32
      %dma_wait3A_153 = tpu.memref_slice %arg3[%dma_wait3A_151, %dma_wait3A_152] : memref<1000000x128xf32, #tpu.memory_space<hbm>> -> memref<1000000x128xf32, #tpu.memory_space<hbm>>
      tpu.wait_indirect_dma semaphore(%arg8 : memref<!tpu.dma_semaphore, #tpu.memory_space<semaphore_mem>>) src(%dma_wait3A_153 : memref<1000000x128xf32, #tpu.memory_space<hbm>>) dst(%dma_wait3A_147 : memref<128x128xf32, #tpu.memory_space<vmem>>)
      %dma_start3A_154 = arith.constant 1 : i32
      %dma_start3A_155 = arith.constant 0 : i32
      %dma_start3A_156 = arith.constant 0 : i32
      %dma_start3A_157 = tpu.memref_slice %arg6[%dma_start3A_154, %dma_start3A_155, %dma_start3A_156] : memref<4x128x128xf32, #tpu.memory_space<vmem>> -> memref<1x128x128xf32, #tpu.memory_space<vmem>>
      %dma_start3A_158 = tpu.memref_squeeze %dma_start3A_157 : memref<1x128x128xf32, #tpu.memory_space<vmem>> -> memref<128x128xf32, #tpu.memory_space<vmem>>
      %dma_start3A_159 = arith.constant 0 : i32
      %dma_start3A_160 = arith.constant 0 : i32
      %dma_start3A_161 = tpu.memref_slice %arg4[%add3A_142, %add3A, %dma_start3A_159, %dma_start3A_160] : memref<200x32x128x128xf32, #tpu.memory_space<hbm>> -> memref<1x1x128x128xf32, #tpu.memory_space<hbm>>
      %dma_start3A_162 = tpu.memref_squeeze %dma_start3A_161 : memref<1x1x128x128xf32, #tpu.memory_space<hbm>> -> memref<128x128xf32, #tpu.memory_space<hbm>>
      %dma_start3A_163 = arith.constant 0 : i32
      %dma_start3A_164 = arith.constant 0 : i32
      %dma_start3A_165 = tpu.memref_slice %arg4[%add3A_142, %add3A, %dma_start3A_163, %dma_start3A_164] : memref<200x32x128x128xf32, #tpu.memory_space<hbm>> -> memref<1x1x128x128xf32, #tpu.memory_space<hbm>>
      %dma_start3A_166 = tpu.memref_squeeze %dma_start3A_165 : memref<1x1x128x128xf32, #tpu.memory_space<hbm>> -> memref<128x128xf32, #tpu.memory_space<hbm>>
      %dma_start3A_167 = arith.constant 0 : i32
      %dma_start3A_168 = arith.constant 0 : i32
      %dma_start3A_169 = tpu.memref_slice %arg6[%dma_start3A_154, %dma_start3A_167, %dma_start3A_168] : memref<4x128x128xf32, #tpu.memory_space<vmem>> -> memref<1x128x128xf32, #tpu.memory_space<vmem>>
      %dma_start3A_170 = tpu.memref_squeeze %dma_start3A_169 : memref<1x128x128xf32, #tpu.memory_space<vmem>> -> memref<128x128xf32, #tpu.memory_space<vmem>>
      tpu.enqueue_dma source(%dma_start3A_170 : memref<128x128xf32, #tpu.memory_space<vmem>>) target(%dma_start3A_166 : memref<128x128xf32, #tpu.memory_space<hbm>>) target_semaphore(%arg12 : memref<!tpu.dma_semaphore, #tpu.memory_space<semaphore_mem>>)
      %add3A_171 = arith.constant 2 : i32
      %add3A_172 = arith.addi %add3A_142, %add3A_171 : i32
      %lt3A_173 = arith.constant 200 : i32
      %lt3A_174 = arith.cmpi slt, %add3A_172, %lt3A_173 : i32
      %convert_element_type3A_175 = arith.extui %lt3A_174 : i1 to i32
      %cond3A_176 = arith.constant 0 : i32
      %cond3A_177 = arith.cmpi ne, %convert_element_type3A_175, %cond3A_176 : i32
      scf.if %cond3A_177 {
        %ge3A = arith.constant 4 : i32
        %ge3A_256 = arith.cmpi sge, %add3A_172, %ge3A : i32
        %convert_element_type3A_257 = arith.extui %ge3A_256 : i1 to i32
        %cond3A_258 = arith.constant 0 : i32
        %cond3A_259 = arith.cmpi ne, %convert_element_type3A_257, %cond3A_258 : i32
        scf.if %cond3A_259 {
          %sub3A = arith.constant 4 : i32
          %sub3A_271 = arith.subi %add3A_172, %sub3A : i32
          %dma_wait3A_272 = arith.constant 3 : i32
          %dma_wait3A_273 = arith.constant 0 : i32
          %dma_wait3A_274 = arith.constant 0 : i32
          %dma_wait3A_275 = tpu.memref_slice %arg6[%dma_wait3A_272, %dma_wait3A_273, %dma_wait3A_274] : memref<4x128x128xf32, #tpu.memory_space<vmem>> -> memref<1x128x128xf32, #tpu.memory_space<vmem>>
          %dma_wait3A_276 = tpu.memref_squeeze %dma_wait3A_275 : memref<1x128x128xf32, #tpu.memory_space<vmem>> -> memref<128x128xf32, #tpu.memory_space<vmem>>
          %dma_wait3A_277 = arith.constant 0 : i32
          %dma_wait3A_278 = arith.constant 0 : i32
          %dma_wait3A_279 = tpu.memref_slice %arg4[%sub3A_271, %add3A, %dma_wait3A_277, %dma_wait3A_278] : memref<200x32x128x128xf32, #tpu.memory_space<hbm>> -> memref<1x1x128x128xf32, #tpu.memory_space<hbm>>
          %dma_wait3A_280 = tpu.memref_squeeze %dma_wait3A_279 : memref<1x1x128x128xf32, #tpu.memory_space<hbm>> -> memref<128x128xf32, #tpu.memory_space<hbm>>
          %dma_wait3A_281 = arith.constant 0 : i32
          %dma_wait3A_282 = arith.constant 0 : i32
          %dma_wait3A_283 = tpu.memref_slice %arg4[%sub3A_271, %add3A, %dma_wait3A_281, %dma_wait3A_282] : memref<200x32x128x128xf32, #tpu.memory_space<hbm>> -> memref<1x1x128x128xf32, #tpu.memory_space<hbm>>
          %dma_wait3A_284 = tpu.memref_squeeze %dma_wait3A_283 : memref<1x1x128x128xf32, #tpu.memory_space<hbm>> -> memref<128x128xf32, #tpu.memory_space<hbm>>
          %dma_wait3A_285 = arith.constant 0 : i32
          %dma_wait3A_286 = arith.constant 0 : i32
          %dma_wait3A_287 = tpu.memref_slice %arg6[%dma_wait3A_272, %dma_wait3A_285, %dma_wait3A_286] : memref<4x128x128xf32, #tpu.memory_space<vmem>> -> memref<1x128x128xf32, #tpu.memory_space<vmem>>
          %dma_wait3A_288 = tpu.memref_squeeze %dma_wait3A_287 : memref<1x128x128xf32, #tpu.memory_space<vmem>> -> memref<128x128xf32, #tpu.memory_space<vmem>>
          tpu.wait_dma2 semaphore(%arg14 : memref<!tpu.dma_semaphore, #tpu.memory_space<semaphore_mem>>) src(%dma_wait3A_288 : memref<128x128xf32, #tpu.memory_space<vmem>>) dst(%dma_wait3A_284 : memref<128x128xf32, #tpu.memory_space<hbm>>)
        } else {
        }
        %dma_start3A_260 = arith.constant 3 : i32
        %dma_start3A_261 = arith.constant 0 : i32
        %dma_start3A_262 = arith.constant 0 : i32
        %dma_start3A_263 = tpu.memref_slice %arg6[%dma_start3A_260, %dma_start3A_261, %dma_start3A_262] : memref<4x128x128xf32, #tpu.memory_space<vmem>> -> memref<1x128x128xf32, #tpu.memory_space<vmem>>
        %dma_start3A_264 = tpu.memref_squeeze %dma_start3A_263 : memref<1x128x128xf32, #tpu.memory_space<vmem>> -> memref<128x128xf32, #tpu.memory_space<vmem>>
        %dma_start3A_265 = arith.constant 0 : i32
        %dma_start3A_266 = tpu.memref_slice %arg5[%add3A_172, %dma_start3A_265] : memref<200x128xi32, #tpu.memory_space<vmem>> -> memref<1x128xi32, #tpu.memory_space<vmem>>
        %dma_start3A_267 = tpu.memref_squeeze %dma_start3A_266 : memref<1x128xi32, #tpu.memory_space<vmem>> -> memref<128xi32, #tpu.memory_space<vmem>>
        %dma_start3A_268 = arith.constant 0 : i32
        %dma_start3A_269 = arith.constant 0 : i32
        %dma_start3A_270 = tpu.memref_slice %arg3[%dma_start3A_268, %dma_start3A_269] : memref<1000000x128xf32, #tpu.memory_space<hbm>> -> memref<1000000x128xf32, #tpu.memory_space<hbm>>
        tpu.enqueue_indirect_dma source(%dma_start3A_270 : memref<1000000x128xf32, #tpu.memory_space<hbm>>) target(%dma_start3A_264 : memref<128x128xf32, #tpu.memory_space<vmem>>) offsets(%dma_start3A_267 : memref<128xi32, #tpu.memory_space<vmem>>) semaphore(%arg10 : memref<!tpu.dma_semaphore, #tpu.memory_space<semaphore_mem>>)
      } else {
      }
      %mul3A_178 = arith.constant 4 : i32
      %mul3A_179 = arith.muli %scan3A_102, %mul3A_178 : i32
      %add3A_180 = arith.constant 2 : i32
      %add3A_181 = arith.addi %mul3A_179, %add3A_180 : i32
      %dma_wait3A_182 = arith.constant 2 : i32
      %dma_wait3A_183 = arith.constant 0 : i32
      %dma_wait3A_184 = arith.constant 0 : i32
      %dma_wait3A_185 = tpu.memref_slice %arg6[%dma_wait3A_182, %dma_wait3A_183, %dma_wait3A_184] : memref<4x128x128xf32, #tpu.memory_space<vmem>> -> memref<1x128x128xf32, #tpu.memory_space<vmem>>
      %dma_wait3A_186 = tpu.memref_squeeze %dma_wait3A_185 : memref<1x128x128xf32, #tpu.memory_space<vmem>> -> memref<128x128xf32, #tpu.memory_space<vmem>>
      %dma_wait3A_187 = arith.constant 0 : i32
      %dma_wait3A_188 = tpu.memref_slice %arg5[%add3A_181, %dma_wait3A_187] : memref<200x128xi32, #tpu.memory_space<vmem>> -> memref<1x128xi32, #tpu.memory_space<vmem>>
      %dma_wait3A_189 = tpu.memref_squeeze %dma_wait3A_188 : memref<1x128xi32, #tpu.memory_space<vmem>> -> memref<128xi32, #tpu.memory_space<vmem>>
      %dma_wait3A_190 = arith.constant 0 : i32
      %dma_wait3A_191 = arith.constant 0 : i32
      %dma_wait3A_192 = tpu.memref_slice %arg3[%dma_wait3A_190, %dma_wait3A_191] : memref<1000000x128xf32, #tpu.memory_space<hbm>> -> memref<1000000x128xf32, #tpu.memory_space<hbm>>
      tpu.wait_indirect_dma semaphore(%arg9 : memref<!tpu.dma_semaphore, #tpu.memory_space<semaphore_mem>>) src(%dma_wait3A_192 : memref<1000000x128xf32, #tpu.memory_space<hbm>>) dst(%dma_wait3A_186 : memref<128x128xf32, #tpu.memory_space<vmem>>)
      %dma_start3A_193 = arith.constant 2 : i32
      %dma_start3A_194 = arith.constant 0 : i32
      %dma_start3A_195 = arith.constant 0 : i32
      %dma_start3A_196 = tpu.memref_slice %arg6[%dma_start3A_193, %dma_start3A_194, %dma_start3A_195] : memref<4x128x128xf32, #tpu.memory_space<vmem>> -> memref<1x128x128xf32, #tpu.memory_space<vmem>>
      %dma_start3A_197 = tpu.memref_squeeze %dma_start3A_196 : memref<1x128x128xf32, #tpu.memory_space<vmem>> -> memref<128x128xf32, #tpu.memory_space<vmem>>
      %dma_start3A_198 = arith.constant 0 : i32
      %dma_start3A_199 = arith.constant 0 : i32
      %dma_start3A_200 = tpu.memref_slice %arg4[%add3A_181, %add3A, %dma_start3A_198, %dma_start3A_199] : memref<200x32x128x128xf32, #tpu.memory_space<hbm>> -> memref<1x1x128x128xf32, #tpu.memory_space<hbm>>
      %dma_start3A_201 = tpu.memref_squeeze %dma_start3A_200 : memref<1x1x128x128xf32, #tpu.memory_space<hbm>> -> memref<128x128xf32, #tpu.memory_space<hbm>>
      %dma_start3A_202 = arith.constant 0 : i32
      %dma_start3A_203 = arith.constant 0 : i32
      %dma_start3A_204 = tpu.memref_slice %arg4[%add3A_181, %add3A, %dma_start3A_202, %dma_start3A_203] : memref<200x32x128x128xf32, #tpu.memory_space<hbm>> -> memref<1x1x128x128xf32, #tpu.memory_space<hbm>>
      %dma_start3A_205 = tpu.memref_squeeze %dma_start3A_204 : memref<1x1x128x128xf32, #tpu.memory_space<hbm>> -> memref<128x128xf32, #tpu.memory_space<hbm>>
      %dma_start3A_206 = arith.constant 0 : i32
      %dma_start3A_207 = arith.constant 0 : i32
      %dma_start3A_208 = tpu.memref_slice %arg6[%dma_start3A_193, %dma_start3A_206, %dma_start3A_207] : memref<4x128x128xf32, #tpu.memory_space<vmem>> -> memref<1x128x128xf32, #tpu.memory_space<vmem>>
      %dma_start3A_209 = tpu.memref_squeeze %dma_start3A_208 : memref<1x128x128xf32, #tpu.memory_space<vmem>> -> memref<128x128xf32, #tpu.memory_space<vmem>>
      tpu.enqueue_dma source(%dma_start3A_209 : memref<128x128xf32, #tpu.memory_space<vmem>>) target(%dma_start3A_205 : memref<128x128xf32, #tpu.memory_space<hbm>>) target_semaphore(%arg13 : memref<!tpu.dma_semaphore, #tpu.memory_space<semaphore_mem>>)
      %add3A_210 = arith.constant 2 : i32
      %add3A_211 = arith.addi %add3A_181, %add3A_210 : i32
      %lt3A_212 = arith.constant 200 : i32
      %lt3A_213 = arith.cmpi slt, %add3A_211, %lt3A_212 : i32
      %convert_element_type3A_214 = arith.extui %lt3A_213 : i1 to i32
      %cond3A_215 = arith.constant 0 : i32
      %cond3A_216 = arith.cmpi ne, %convert_element_type3A_214, %cond3A_215 : i32
      scf.if %cond3A_216 {
        %ge3A = arith.constant 4 : i32
        %ge3A_256 = arith.cmpi sge, %add3A_211, %ge3A : i32
        %convert_element_type3A_257 = arith.extui %ge3A_256 : i1 to i32
        %cond3A_258 = arith.constant 0 : i32
        %cond3A_259 = arith.cmpi ne, %convert_element_type3A_257, %cond3A_258 : i32
        scf.if %cond3A_259 {
          %sub3A = arith.constant 4 : i32
          %sub3A_271 = arith.subi %add3A_211, %sub3A : i32
          %dma_wait3A_272 = arith.constant 0 : i32
          %dma_wait3A_273 = arith.constant 0 : i32
          %dma_wait3A_274 = arith.constant 0 : i32
          %dma_wait3A_275 = tpu.memref_slice %arg6[%dma_wait3A_272, %dma_wait3A_273, %dma_wait3A_274] : memref<4x128x128xf32, #tpu.memory_space<vmem>> -> memref<1x128x128xf32, #tpu.memory_space<vmem>>
          %dma_wait3A_276 = tpu.memref_squeeze %dma_wait3A_275 : memref<1x128x128xf32, #tpu.memory_space<vmem>> -> memref<128x128xf32, #tpu.memory_space<vmem>>
          %dma_wait3A_277 = arith.constant 0 : i32
          %dma_wait3A_278 = arith.constant 0 : i32
          %dma_wait3A_279 = tpu.memref_slice %arg4[%sub3A_271, %add3A, %dma_wait3A_277, %dma_wait3A_278] : memref<200x32x128x128xf32, #tpu.memory_space<hbm>> -> memref<1x1x128x128xf32, #tpu.memory_space<hbm>>
          %dma_wait3A_280 = tpu.memref_squeeze %dma_wait3A_279 : memref<1x1x128x128xf32, #tpu.memory_space<hbm>> -> memref<128x128xf32, #tpu.memory_space<hbm>>
          %dma_wait3A_281 = arith.constant 0 : i32
          %dma_wait3A_282 = arith.constant 0 : i32
          %dma_wait3A_283 = tpu.memref_slice %arg4[%sub3A_271, %add3A, %dma_wait3A_281, %dma_wait3A_282] : memref<200x32x128x128xf32, #tpu.memory_space<hbm>> -> memref<1x1x128x128xf32, #tpu.memory_space<hbm>>
          %dma_wait3A_284 = tpu.memref_squeeze %dma_wait3A_283 : memref<1x1x128x128xf32, #tpu.memory_space<hbm>> -> memref<128x128xf32, #tpu.memory_space<hbm>>
          %dma_wait3A_285 = arith.constant 0 : i32
          %dma_wait3A_286 = arith.constant 0 : i32
          %dma_wait3A_287 = tpu.memref_slice %arg6[%dma_wait3A_272, %dma_wait3A_285, %dma_wait3A_286] : memref<4x128x128xf32, #tpu.memory_space<vmem>> -> memref<1x128x128xf32, #tpu.memory_space<vmem>>
          %dma_wait3A_288 = tpu.memref_squeeze %dma_wait3A_287 : memref<1x128x128xf32, #tpu.memory_space<vmem>> -> memref<128x128xf32, #tpu.memory_space<vmem>>
          tpu.wait_dma2 semaphore(%arg11 : memref<!tpu.dma_semaphore, #tpu.memory_space<semaphore_mem>>) src(%dma_wait3A_288 : memref<128x128xf32, #tpu.memory_space<vmem>>) dst(%dma_wait3A_284 : memref<128x128xf32, #tpu.memory_space<hbm>>)
        } else {
        }
        %dma_start3A_260 = arith.constant 0 : i32
        %dma_start3A_261 = arith.constant 0 : i32
        %dma_start3A_262 = arith.constant 0 : i32
        %dma_start3A_263 = tpu.memref_slice %arg6[%dma_start3A_260, %dma_start3A_261, %dma_start3A_262] : memref<4x128x128xf32, #tpu.memory_space<vmem>> -> memref<1x128x128xf32, #tpu.memory_space<vmem>>
        %dma_start3A_264 = tpu.memref_squeeze %dma_start3A_263 : memref<1x128x128xf32, #tpu.memory_space<vmem>> -> memref<128x128xf32, #tpu.memory_space<vmem>>
        %dma_start3A_265 = arith.constant 0 : i32
        %dma_start3A_266 = tpu.memref_slice %arg5[%add3A_211, %dma_start3A_265] : memref<200x128xi32, #tpu.memory_space<vmem>> -> memref<1x128xi32, #tpu.memory_space<vmem>>
        %dma_start3A_267 = tpu.memref_squeeze %dma_start3A_266 : memref<1x128xi32, #tpu.memory_space<vmem>> -> memref<128xi32, #tpu.memory_space<vmem>>
        %dma_start3A_268 = arith.constant 0 : i32
        %dma_start3A_269 = arith.constant 0 : i32
        %dma_start3A_270 = tpu.memref_slice %arg3[%dma_start3A_268, %dma_start3A_269] : memref<1000000x128xf32, #tpu.memory_space<hbm>> -> memref<1000000x128xf32, #tpu.memory_space<hbm>>
        tpu.enqueue_indirect_dma source(%dma_start3A_270 : memref<1000000x128xf32, #tpu.memory_space<hbm>>) target(%dma_start3A_264 : memref<128x128xf32, #tpu.memory_space<vmem>>) offsets(%dma_start3A_267 : memref<128xi32, #tpu.memory_space<vmem>>) semaphore(%arg7 : memref<!tpu.dma_semaphore, #tpu.memory_space<semaphore_mem>>)
      } else {
      }
      %mul3A_217 = arith.constant 4 : i32
      %mul3A_218 = arith.muli %scan3A_102, %mul3A_217 : i32
      %add3A_219 = arith.constant 3 : i32
      %add3A_220 = arith.addi %mul3A_218, %add3A_219 : i32
      %dma_wait3A_221 = arith.constant 3 : i32
      %dma_wait3A_222 = arith.constant 0 : i32
      %dma_wait3A_223 = arith.constant 0 : i32
      %dma_wait3A_224 = tpu.memref_slice %arg6[%dma_wait3A_221, %dma_wait3A_222, %dma_wait3A_223] : memref<4x128x128xf32, #tpu.memory_space<vmem>> -> memref<1x128x128xf32, #tpu.memory_space<vmem>>
      %dma_wait3A_225 = tpu.memref_squeeze %dma_wait3A_224 : memref<1x128x128xf32, #tpu.memory_space<vmem>> -> memref<128x128xf32, #tpu.memory_space<vmem>>
      %dma_wait3A_226 = arith.constant 0 : i32
      %dma_wait3A_227 = tpu.memref_slice %arg5[%add3A_220, %dma_wait3A_226] : memref<200x128xi32, #tpu.memory_space<vmem>> -> memref<1x128xi32, #tpu.memory_space<vmem>>
      %dma_wait3A_228 = tpu.memref_squeeze %dma_wait3A_227 : memref<1x128xi32, #tpu.memory_space<vmem>> -> memref<128xi32, #tpu.memory_space<vmem>>
      %dma_wait3A_229 = arith.constant 0 : i32
      %dma_wait3A_230 = arith.constant 0 : i32
      %dma_wait3A_231 = tpu.memref_slice %arg3[%dma_wait3A_229, %dma_wait3A_230] : memref<1000000x128xf32, #tpu.memory_space<hbm>> -> memref<1000000x128xf32, #tpu.memory_space<hbm>>
      tpu.wait_indirect_dma semaphore(%arg10 : memref<!tpu.dma_semaphore, #tpu.memory_space<semaphore_mem>>) src(%dma_wait3A_231 : memref<1000000x128xf32, #tpu.memory_space<hbm>>) dst(%dma_wait3A_225 : memref<128x128xf32, #tpu.memory_space<vmem>>)
      %dma_start3A_232 = arith.constant 3 : i32
      %dma_start3A_233 = arith.constant 0 : i32
      %dma_start3A_234 = arith.constant 0 : i32
      %dma_start3A_235 = tpu.memref_slice %arg6[%dma_start3A_232, %dma_start3A_233, %dma_start3A_234] : memref<4x128x128xf32, #tpu.memory_space<vmem>> -> memref<1x128x128xf32, #tpu.memory_space<vmem>>
      %dma_start3A_236 = tpu.memref_squeeze %dma_start3A_235 : memref<1x128x128xf32, #tpu.memory_space<vmem>> -> memref<128x128xf32, #tpu.memory_space<vmem>>
      %dma_start3A_237 = arith.constant 0 : i32
      %dma_start3A_238 = arith.constant 0 : i32
      %dma_start3A_239 = tpu.memref_slice %arg4[%add3A_220, %add3A, %dma_start3A_237, %dma_start3A_238] : memref<200x32x128x128xf32, #tpu.memory_space<hbm>> -> memref<1x1x128x128xf32, #tpu.memory_space<hbm>>
      %dma_start3A_240 = tpu.memref_squeeze %dma_start3A_239 : memref<1x1x128x128xf32, #tpu.memory_space<hbm>> -> memref<128x128xf32, #tpu.memory_space<hbm>>
      %dma_start3A_241 = arith.constant 0 : i32
      %dma_start3A_242 = arith.constant 0 : i32
      %dma_start3A_243 = tpu.memref_slice %arg4[%add3A_220, %add3A, %dma_start3A_241, %dma_start3A_242] : memref<200x32x128x128xf32, #tpu.memory_space<hbm>> -> memref<1x1x128x128xf32, #tpu.memory_space<hbm>>
      %dma_start3A_244 = tpu.memref_squeeze %dma_start3A_243 : memref<1x1x128x128xf32, #tpu.memory_space<hbm>> -> memref<128x128xf32, #tpu.memory_space<hbm>>
      %dma_start3A_245 = arith.constant 0 : i32
      %dma_start3A_246 = arith.constant 0 : i32
      %dma_start3A_247 = tpu.memref_slice %arg6[%dma_start3A_232, %dma_start3A_245, %dma_start3A_246] : memref<4x128x128xf32, #tpu.memory_space<vmem>> -> memref<1x128x128xf32, #tpu.memory_space<vmem>>
      %dma_start3A_248 = tpu.memref_squeeze %dma_start3A_247 : memref<1x128x128xf32, #tpu.memory_space<vmem>> -> memref<128x128xf32, #tpu.memory_space<vmem>>
      tpu.enqueue_dma source(%dma_start3A_248 : memref<128x128xf32, #tpu.memory_space<vmem>>) target(%dma_start3A_244 : memref<128x128xf32, #tpu.memory_space<hbm>>) target_semaphore(%arg14 : memref<!tpu.dma_semaphore, #tpu.memory_space<semaphore_mem>>)
      %add3A_249 = arith.constant 2 : i32
      %add3A_250 = arith.addi %add3A_220, %add3A_249 : i32
      %lt3A_251 = arith.constant 200 : i32
      %lt3A_252 = arith.cmpi slt, %add3A_250, %lt3A_251 : i32
      %convert_element_type3A_253 = arith.extui %lt3A_252 : i1 to i32
      %cond3A_254 = arith.constant 0 : i32
      %cond3A_255 = arith.cmpi ne, %convert_element_type3A_253, %cond3A_254 : i32
      scf.if %cond3A_255 {
        %ge3A = arith.constant 4 : i32
        %ge3A_256 = arith.cmpi sge, %add3A_250, %ge3A : i32
        %convert_element_type3A_257 = arith.extui %ge3A_256 : i1 to i32
        %cond3A_258 = arith.constant 0 : i32
        %cond3A_259 = arith.cmpi ne, %convert_element_type3A_257, %cond3A_258 : i32
        scf.if %cond3A_259 {
          %sub3A = arith.constant 4 : i32
          %sub3A_271 = arith.subi %add3A_250, %sub3A : i32
          %dma_wait3A_272 = arith.constant 1 : i32
          %dma_wait3A_273 = arith.constant 0 : i32
          %dma_wait3A_274 = arith.constant 0 : i32
          %dma_wait3A_275 = tpu.memref_slice %arg6[%dma_wait3A_272, %dma_wait3A_273, %dma_wait3A_274] : memref<4x128x128xf32, #tpu.memory_space<vmem>> -> memref<1x128x128xf32, #tpu.memory_space<vmem>>
          %dma_wait3A_276 = tpu.memref_squeeze %dma_wait3A_275 : memref<1x128x128xf32, #tpu.memory_space<vmem>> -> memref<128x128xf32, #tpu.memory_space<vmem>>
          %dma_wait3A_277 = arith.constant 0 : i32
          %dma_wait3A_278 = arith.constant 0 : i32
          %dma_wait3A_279 = tpu.memref_slice %arg4[%sub3A_271, %add3A, %dma_wait3A_277, %dma_wait3A_278] : memref<200x32x128x128xf32, #tpu.memory_space<hbm>> -> memref<1x1x128x128xf32, #tpu.memory_space<hbm>>
          %dma_wait3A_280 = tpu.memref_squeeze %dma_wait3A_279 : memref<1x1x128x128xf32, #tpu.memory_space<hbm>> -> memref<128x128xf32, #tpu.memory_space<hbm>>
          %dma_wait3A_281 = arith.constant 0 : i32
          %dma_wait3A_282 = arith.constant 0 : i32
          %dma_wait3A_283 = tpu.memref_slice %arg4[%sub3A_271, %add3A, %dma_wait3A_281, %dma_wait3A_282] : memref<200x32x128x128xf32, #tpu.memory_space<hbm>> -> memref<1x1x128x128xf32, #tpu.memory_space<hbm>>
          %dma_wait3A_284 = tpu.memref_squeeze %dma_wait3A_283 : memref<1x1x128x128xf32, #tpu.memory_space<hbm>> -> memref<128x128xf32, #tpu.memory_space<hbm>>
          %dma_wait3A_285 = arith.constant 0 : i32
          %dma_wait3A_286 = arith.constant 0 : i32
          %dma_wait3A_287 = tpu.memref_slice %arg6[%dma_wait3A_272, %dma_wait3A_285, %dma_wait3A_286] : memref<4x128x128xf32, #tpu.memory_space<vmem>> -> memref<1x128x128xf32, #tpu.memory_space<vmem>>
          %dma_wait3A_288 = tpu.memref_squeeze %dma_wait3A_287 : memref<1x128x128xf32, #tpu.memory_space<vmem>> -> memref<128x128xf32, #tpu.memory_space<vmem>>
          tpu.wait_dma2 semaphore(%arg12 : memref<!tpu.dma_semaphore, #tpu.memory_space<semaphore_mem>>) src(%dma_wait3A_288 : memref<128x128xf32, #tpu.memory_space<vmem>>) dst(%dma_wait3A_284 : memref<128x128xf32, #tpu.memory_space<hbm>>)
        } else {
        }
        %dma_start3A_260 = arith.constant 1 : i32
        %dma_start3A_261 = arith.constant 0 : i32
        %dma_start3A_262 = arith.constant 0 : i32
        %dma_start3A_263 = tpu.memref_slice %arg6[%dma_start3A_260, %dma_start3A_261, %dma_start3A_262] : memref<4x128x128xf32, #tpu.memory_space<vmem>> -> memref<1x128x128xf32, #tpu.memory_space<vmem>>
        %dma_start3A_264 = tpu.memref_squeeze %dma_start3A_263 : memref<1x128x128xf32, #tpu.memory_space<vmem>> -> memref<128x128xf32, #tpu.memory_space<vmem>>
        %dma_start3A_265 = arith.constant 0 : i32
        %dma_start3A_266 = tpu.memref_slice %arg5[%add3A_250, %dma_start3A_265] : memref<200x128xi32, #tpu.memory_space<vmem>> -> memref<1x128xi32, #tpu.memory_space<vmem>>
        %dma_start3A_267 = tpu.memref_squeeze %dma_start3A_266 : memref<1x128xi32, #tpu.memory_space<vmem>> -> memref<128xi32, #tpu.memory_space<vmem>>
        %dma_start3A_268 = arith.constant 0 : i32
        %dma_start3A_269 = arith.constant 0 : i32
        %dma_start3A_270 = tpu.memref_slice %arg3[%dma_start3A_268, %dma_start3A_269] : memref<1000000x128xf32, #tpu.memory_space<hbm>> -> memref<1000000x128xf32, #tpu.memory_space<hbm>>
        tpu.enqueue_indirect_dma source(%dma_start3A_270 : memref<1000000x128xf32, #tpu.memory_space<hbm>>) target(%dma_start3A_264 : memref<128x128xf32, #tpu.memory_space<vmem>>) offsets(%dma_start3A_267 : memref<128xi32, #tpu.memory_space<vmem>>) semaphore(%arg8 : memref<!tpu.dma_semaphore, #tpu.memory_space<semaphore_mem>>)
      } else {
      }
    }
    %scan3A_30 = arith.constant 50 : i32
    %dma_wait3A = arith.constant 0 : i32
    %dma_wait3A_31 = arith.constant 196 : i32
    %dma_wait3A_32 = arith.constant 0 : i32
    %dma_wait3A_33 = arith.constant 0 : i32
    %dma_wait3A_34 = tpu.memref_slice %arg6[%dma_wait3A, %dma_wait3A_32, %dma_wait3A_33] : memref<4x128x128xf32, #tpu.memory_space<vmem>> -> memref<1x128x128xf32, #tpu.memory_space<vmem>>
    %dma_wait3A_35 = tpu.memref_squeeze %dma_wait3A_34 : memref<1x128x128xf32, #tpu.memory_space<vmem>> -> memref<128x128xf32, #tpu.memory_space<vmem>>
    %dma_wait3A_36 = arith.constant 0 : i32
    %dma_wait3A_37 = arith.constant 0 : i32
    %dma_wait3A_38 = tpu.memref_slice %arg4[%dma_wait3A_31, %add3A, %dma_wait3A_36, %dma_wait3A_37] : memref<200x32x128x128xf32, #tpu.memory_space<hbm>> -> memref<1x1x128x128xf32, #tpu.memory_space<hbm>>
    %dma_wait3A_39 = tpu.memref_squeeze %dma_wait3A_38 : memref<1x1x128x128xf32, #tpu.memory_space<hbm>> -> memref<128x128xf32, #tpu.memory_space<hbm>>
    %dma_wait3A_40 = arith.constant 0 : i32
    %dma_wait3A_41 = arith.constant 0 : i32
    %dma_wait3A_42 = tpu.memref_slice %arg4[%dma_wait3A_31, %add3A, %dma_wait3A_40, %dma_wait3A_41] : memref<200x32x128x128xf32, #tpu.memory_space<hbm>> -> memref<1x1x128x128xf32, #tpu.memory_space<hbm>>
    %dma_wait3A_43 = tpu.memref_squeeze %dma_wait3A_42 : memref<1x1x128x128xf32, #tpu.memory_space<hbm>> -> memref<128x128xf32, #tpu.memory_space<hbm>>
    %dma_wait3A_44 = arith.constant 0 : i32
    %dma_wait3A_45 = arith.constant 0 : i32
    %dma_wait3A_46 = tpu.memref_slice %arg6[%dma_wait3A, %dma_wait3A_44, %dma_wait3A_45] : memref<4x128x128xf32, #tpu.memory_space<vmem>> -> memref<1x128x128xf32, #tpu.memory_space<vmem>>
    %dma_wait3A_47 = tpu.memref_squeeze %dma_wait3A_46 : memref<1x128x128xf32, #tpu.memory_space<vmem>> -> memref<128x128xf32, #tpu.memory_space<vmem>>
    tpu.wait_dma2 semaphore(%arg11 : memref<!tpu.dma_semaphore, #tpu.memory_space<semaphore_mem>>) src(%dma_wait3A_47 : memref<128x128xf32, #tpu.memory_space<vmem>>) dst(%dma_wait3A_43 : memref<128x128xf32, #tpu.memory_space<hbm>>)
    %dma_wait3A_48 = arith.constant 1 : i32
    %dma_wait3A_49 = arith.constant 197 : i32
    %dma_wait3A_50 = arith.constant 0 : i32
    %dma_wait3A_51 = arith.constant 0 : i32
    %dma_wait3A_52 = tpu.memref_slice %arg6[%dma_wait3A_48, %dma_wait3A_50, %dma_wait3A_51] : memref<4x128x128xf32, #tpu.memory_space<vmem>> -> memref<1x128x128xf32, #tpu.memory_space<vmem>>
    %dma_wait3A_53 = tpu.memref_squeeze %dma_wait3A_52 : memref<1x128x128xf32, #tpu.memory_space<vmem>> -> memref<128x128xf32, #tpu.memory_space<vmem>>
    %dma_wait3A_54 = arith.constant 0 : i32
    %dma_wait3A_55 = arith.constant 0 : i32
    %dma_wait3A_56 = tpu.memref_slice %arg4[%dma_wait3A_49, %add3A, %dma_wait3A_54, %dma_wait3A_55] : memref<200x32x128x128xf32, #tpu.memory_space<hbm>> -> memref<1x1x128x128xf32, #tpu.memory_space<hbm>>
    %dma_wait3A_57 = tpu.memref_squeeze %dma_wait3A_56 : memref<1x1x128x128xf32, #tpu.memory_space<hbm>> -> memref<128x128xf32, #tpu.memory_space<hbm>>
    %dma_wait3A_58 = arith.constant 0 : i32
    %dma_wait3A_59 = arith.constant 0 : i32
    %dma_wait3A_60 = tpu.memref_slice %arg4[%dma_wait3A_49, %add3A, %dma_wait3A_58, %dma_wait3A_59] : memref<200x32x128x128xf32, #tpu.memory_space<hbm>> -> memref<1x1x128x128xf32, #tpu.memory_space<hbm>>
    %dma_wait3A_61 = tpu.memref_squeeze %dma_wait3A_60 : memref<1x1x128x128xf32, #tpu.memory_space<hbm>> -> memref<128x128xf32, #tpu.memory_space<hbm>>
    %dma_wait3A_62 = arith.constant 0 : i32
    %dma_wait3A_63 = arith.constant 0 : i32
    %dma_wait3A_64 = tpu.memref_slice %arg6[%dma_wait3A_48, %dma_wait3A_62, %dma_wait3A_63] : memref<4x128x128xf32, #tpu.memory_space<vmem>> -> memref<1x128x128xf32, #tpu.memory_space<vmem>>
    %dma_wait3A_65 = tpu.memref_squeeze %dma_wait3A_64 : memref<1x128x128xf32, #tpu.memory_space<vmem>> -> memref<128x128xf32, #tpu.memory_space<vmem>>
    tpu.wait_dma2 semaphore(%arg12 : memref<!tpu.dma_semaphore, #tpu.memory_space<semaphore_mem>>) src(%dma_wait3A_65 : memref<128x128xf32, #tpu.memory_space<vmem>>) dst(%dma_wait3A_61 : memref<128x128xf32, #tpu.memory_space<hbm>>)
    %dma_wait3A_66 = arith.constant 2 : i32
    %dma_wait3A_67 = arith.constant 198 : i32
    %dma_wait3A_68 = arith.constant 0 : i32
    %dma_wait3A_69 = arith.constant 0 : i32
    %dma_wait3A_70 = tpu.memref_slice %arg6[%dma_wait3A_66, %dma_wait3A_68, %dma_wait3A_69] : memref<4x128x128xf32, #tpu.memory_space<vmem>> -> memref<1x128x128xf32, #tpu.memory_space<vmem>>
    %dma_wait3A_71 = tpu.memref_squeeze %dma_wait3A_70 : memref<1x128x128xf32, #tpu.memory_space<vmem>> -> memref<128x128xf32, #tpu.memory_space<vmem>>
    %dma_wait3A_72 = arith.constant 0 : i32
    %dma_wait3A_73 = arith.constant 0 : i32
    %dma_wait3A_74 = tpu.memref_slice %arg4[%dma_wait3A_67, %add3A, %dma_wait3A_72, %dma_wait3A_73] : memref<200x32x128x128xf32, #tpu.memory_space<hbm>> -> memref<1x1x128x128xf32, #tpu.memory_space<hbm>>
    %dma_wait3A_75 = tpu.memref_squeeze %dma_wait3A_74 : memref<1x1x128x128xf32, #tpu.memory_space<hbm>> -> memref<128x128xf32, #tpu.memory_space<hbm>>
    %dma_wait3A_76 = arith.constant 0 : i32
    %dma_wait3A_77 = arith.constant 0 : i32
    %dma_wait3A_78 = tpu.memref_slice %arg4[%dma_wait3A_67, %add3A, %dma_wait3A_76, %dma_wait3A_77] : memref<200x32x128x128xf32, #tpu.memory_space<hbm>> -> memref<1x1x128x128xf32, #tpu.memory_space<hbm>>
    %dma_wait3A_79 = tpu.memref_squeeze %dma_wait3A_78 : memref<1x1x128x128xf32, #tpu.memory_space<hbm>> -> memref<128x128xf32, #tpu.memory_space<hbm>>
    %dma_wait3A_80 = arith.constant 0 : i32
    %dma_wait3A_81 = arith.constant 0 : i32
    %dma_wait3A_82 = tpu.memref_slice %arg6[%dma_wait3A_66, %dma_wait3A_80, %dma_wait3A_81] : memref<4x128x128xf32, #tpu.memory_space<vmem>> -> memref<1x128x128xf32, #tpu.memory_space<vmem>>
    %dma_wait3A_83 = tpu.memref_squeeze %dma_wait3A_82 : memref<1x128x128xf32, #tpu.memory_space<vmem>> -> memref<128x128xf32, #tpu.memory_space<vmem>>
    tpu.wait_dma2 semaphore(%arg13 : memref<!tpu.dma_semaphore, #tpu.memory_space<semaphore_mem>>) src(%dma_wait3A_83 : memref<128x128xf32, #tpu.memory_space<vmem>>) dst(%dma_wait3A_79 : memref<128x128xf32, #tpu.memory_space<hbm>>)
    %dma_wait3A_84 = arith.constant 3 : i32
    %dma_wait3A_85 = arith.constant 199 : i32
    %dma_wait3A_86 = arith.constant 0 : i32
    %dma_wait3A_87 = arith.constant 0 : i32
    %dma_wait3A_88 = tpu.memref_slice %arg6[%dma_wait3A_84, %dma_wait3A_86, %dma_wait3A_87] : memref<4x128x128xf32, #tpu.memory_space<vmem>> -> memref<1x128x128xf32, #tpu.memory_space<vmem>>
    %dma_wait3A_89 = tpu.memref_squeeze %dma_wait3A_88 : memref<1x128x128xf32, #tpu.memory_space<vmem>> -> memref<128x128xf32, #tpu.memory_space<vmem>>
    %dma_wait3A_90 = arith.constant 0 : i32
    %dma_wait3A_91 = arith.constant 0 : i32
    %dma_wait3A_92 = tpu.memref_slice %arg4[%dma_wait3A_85, %add3A, %dma_wait3A_90, %dma_wait3A_91] : memref<200x32x128x128xf32, #tpu.memory_space<hbm>> -> memref<1x1x128x128xf32, #tpu.memory_space<hbm>>
    %dma_wait3A_93 = tpu.memref_squeeze %dma_wait3A_92 : memref<1x1x128x128xf32, #tpu.memory_space<hbm>> -> memref<128x128xf32, #tpu.memory_space<hbm>>
    %dma_wait3A_94 = arith.constant 0 : i32
    %dma_wait3A_95 = arith.constant 0 : i32
    %dma_wait3A_96 = tpu.memref_slice %arg4[%dma_wait3A_85, %add3A, %dma_wait3A_94, %dma_wait3A_95] : memref<200x32x128x128xf32, #tpu.memory_space<hbm>> -> memref<1x1x128x128xf32, #tpu.memory_space<hbm>>
    %dma_wait3A_97 = tpu.memref_squeeze %dma_wait3A_96 : memref<1x1x128x128xf32, #tpu.memory_space<hbm>> -> memref<128x128xf32, #tpu.memory_space<hbm>>
    %dma_wait3A_98 = arith.constant 0 : i32
    %dma_wait3A_99 = arith.constant 0 : i32
    %dma_wait3A_100 = tpu.memref_slice %arg6[%dma_wait3A_84, %dma_wait3A_98, %dma_wait3A_99] : memref<4x128x128xf32, #tpu.memory_space<vmem>> -> memref<1x128x128xf32, #tpu.memory_space<vmem>>
    %dma_wait3A_101 = tpu.memref_squeeze %dma_wait3A_100 : memref<1x128x128xf32, #tpu.memory_space<vmem>> -> memref<128x128xf32, #tpu.memory_space<vmem>>
    tpu.wait_dma2 semaphore(%arg14 : memref<!tpu.dma_semaphore, #tpu.memory_space<semaphore_mem>>) src(%dma_wait3A_101 : memref<128x128xf32, #tpu.memory_space<vmem>>) dst(%dma_wait3A_97 : memref<128x128xf32, #tpu.memory_space<hbm>>)
    return
  }
}

</mosaic_0001>

<sc_bundles>
// kernel: _embed.3.cloned.1.call-start
scs
__scs_entry_jumppad:
0x0: {  	(pc) =	sbr.rel $0x88, $3  }
0x1: {  	(tag) =	ssettag $0x0;
	lr =	simm.s32 $0x1  }
0x2: {  	[smem:$0x3F9F] =	sst lr;
	_ =	strace $0xD0000000  }
0x3: {  	_ = 	snop  }
0x4: {  	_ = 	snop  }
0x5: {  	_ = 	snop  }
0x6: {  	_ = 	snop  }
0x7: {  	_ = 	snop  }
__scs_overlays_trampoline_lowered:
0x8: {  	[smem:$0x3FAE] =	sst s0  }
0x9: {  	[smem:$0x3FAF] =	sst s1  }
0xa: {  	[smem:$0x3FB0] =	sst s2  }
0xb: {  	[smem:$0x3FB1] =	sst s3  }
0xc: {  	[smem:$0x3FB2] =	sst s4  }
0xd: {  	[smem:$0x3FB3] =	sst s5  }
0xe: {  	[smem:$0x3FB4] =	sst s6  }
0xf: {  	[smem:$0x3FB5] =	sst s7  }
0x10: {  	[smem:$0x3FB6] =	sst s8  }
0x11: {  	[smem:$0x3FB7] =	sst s9;
	s0 =	simm.s32 @!p0 $0x0  }
0x12: {  	s1 =	sld [smem:$0x3F9D];
	s0 =	simm.s32 @p0 $0x1  }
0x13: {  	[smem:$0x3FB8] =	sst s0;
	s0 =	simm.s32 @!p1 $0x0  }
0x14: {  	s2 =	sld [smem:$0x3F9C];
	s0 =	simm.s32 @p1 $0x1  }
0x15: {  	[smem:$0x3FB9] =	sst s0;
	s0 =	simm.s32 @!p2 $0x0  }
0x16: {  	s3 =	sld [smem:$0x3FDB];
	s0 =	simm.s32 @p2 $0x1  }
0x17: {  	s4 =	simm.s32 $0x1BF5;
	[smem:$0x3FBB] =	sst s0  }
0x18: {  	s0 =	sld [smem:$0x3F9E];
	_ =	swait.ge [sflag:s4], $0x0  }
0x19: {  	s7 =	sld [smem:$0x3F9F]  }
0x1a: {  	s8 =	sadd.s32 $0xFFFFE003, lr  }
0x1b: {  	s9 =	sadd.s32 $0xFFFFFEF7, lr;
	s5 =	simm.s32 $0xFFFFFFFF;
	p2 =	slt.u32 s8, $0xFFFFF086  }
0x1c: {  	p1 =	slt.u32 s9, $0xF7A;
	s5 =	simm.s32 @!p2 $0x0  }
0x1d: {  	s5 =	simm.s32 @p1 $0x1;
	p0 =	seq.s32 s7, s2  }
0x1e: {  	s7 =	smul.u32 @!p0 $0xF7A, s2;
	p2 =	seq.s32 @!p0 s5, $0x0  }
0x1f: {  	s9 =	smul.u32 $0xF7A, s1;
	s8 =	simm.s32 @!p0 $0x1BF5;
	p2 =	por !p2, p0  }
0x20: {  	[sflag:s8] =	ssyncset.s32 @!p0 $0xFFFFF086;
	s6 =	sadd.s32 @!p0 s3, s7;
	s7 =	simm.s32 @!p0 $0x108  }
0x21: {  	s3 =	sadd.s32 s3, s9;
	s6 =	sadd.s32 @!p0 $0x88, s6;
	s7 =	simm.s32 @p2 $0x1082  }
0x22: {  	[simem:s7], [sflag:s8] =	dma.local @!p0 [hbm:s6], $0xF7A  }
0x23: {  	s9 =	sor.u32 $0xD0000000, s2;
	s6 =	simm.s32 $0x108;
	_ =	swait.ge @!p0 [sflag:s8], $0x0  }
0x24: {  	s3 =	sadd.s32 $0x88, s3;
	s6 =	simm.s32 @!p1 $0x1082;
	[sflag:s4] =	ssyncset.s32 $0xFFFFF086  }
0x25: {  	[simem:s6], [sflag:s4] =	dma.local [hbm:s3], $0xF7A  }
0x26: {  	[smem:$0x3F9F] =	sst s1;
	(tag) =	ssettag s2;
	_ =	strace s9  }
0x27: {  	s1 =	sld [smem:$0x3FAF]  }
0x28: {  	s2 =	sld [smem:$0x3FB0]  }
0x29: {  	s4 =	sld [smem:$0x3FB2]  }
0x2a: {  	p0 =	seq.s32 s5, $0x0;
	s5 =	sld [smem:$0x3FB3]  }
0x2b: {  	s6 =	sld [smem:$0x3FB4]  }
0x2c: {  	s7 =	sld [smem:$0x3FB5]  }
0x2d: {  	s3 =	simm.s32 $0x108;
	s8 =	sld [smem:$0x3FB6]  }
0x2e: {  	s3 =	simm.s32 @!p0 $0x1082;
	s9 =	sld [smem:$0x3FB7]  }
0x2f: {  	lr =	sadd.s32 s0, s3;
	s0 =	sld [smem:$0x3FAE]  }
0x30: {  	s3 =	sld [smem:$0x3FB1]  }
0x31: {  	[smem:$0x3FBA] =	sst s10  }
0x32: {  	s10 =	sld [smem:$0x3FB8];
	_ =	sdelay $0x3  }
0x33: {  	p0 =	seq.s32 s10, $0x1;
	s10 =	sld [smem:$0x3FBA];
	_ =	sdelay $0x3  }
0x34: {  	[smem:$0x3FBA] =	sst s10  }
0x35: {  	s10 =	sld [smem:$0x3FB9];
	_ =	sdelay $0x3  }
0x36: {  	p1 =	seq.s32 s10, $0x1;
	s10 =	sld [smem:$0x3FBA];
	_ =	sdelay $0x3  }
0x37: {  	[smem:$0x3FBA] =	sst s10  }
0x38: {  	s10 =	sld [smem:$0x3FBB]  }
0x39: {  	_ = 	snop;
	(pc) =	sbr.ind lr, $3  }
0x3a: {  	_ = 	snop  }
0x3b: {  	_ = 	snop  }
0x3c: {  	p2 =	seq.s32 s10, $0x1;
	s10 =	sld [smem:$0x3FBA]  }
0x3d: {  	_ =	shalt  }
0x3e: {  	_ =	shalt  }
0x3f: {  	_ =	shalt  }
0x40: {  	_ =	shalt  }
0x41: {  	_ =	shalt  }
0x42: {  	_ =	shalt  }
0x43: {  	_ =	shalt  }
0x44: {  	_ =	shalt  }
0x45: {  	_ =	shalt  }
0x46: {  	_ =	shalt  }
0x47: {  	_ =	shalt  }
0x48: {  	_ =	shalt  }
0x49: {  	_ =	shalt  }
0x4a: {  	_ =	shalt  }
0x4b: {  	_ =	shalt  }
0x4c: {  	_ =	shalt  }
0x4d: {  	_ =	shalt  }
0x4e: {  	_ =	shalt  }
0x4f: {  	_ =	shalt  }
0x50: {  	_ =	shalt  }
0x51: {  	_ =	shalt  }
0x52: {  	_ =	shalt  }
0x53: {  	_ =	shalt  }
0x54: {  	_ =	shalt  }
0x55: {  	_ =	shalt  }
0x56: {  	_ =	shalt  }
0x57: {  	_ =	shalt  }
0x58: {  	_ =	shalt  }
0x59: {  	_ =	shalt  }
0x5a: {  	_ =	shalt  }
0x5b: {  	_ =	shalt  }
0x5c: {  	_ =	shalt  }
0x5d: {  	_ =	shalt  }
0x5e: {  	_ =	shalt  }
0x5f: {  	_ =	shalt  }
0x60: {  	_ =	shalt  }
0x61: {  	_ =	shalt  }
0x62: {  	_ =	shalt  }
0x63: {  	_ =	shalt  }
0x64: {  	_ =	shalt  }
0x65: {  	_ =	shalt  }
0x66: {  	_ =	shalt  }
0x67: {  	_ =	shalt  }
0x68: {  	_ =	shalt  }
0x69: {  	_ =	shalt  }
0x6a: {  	_ =	shalt  }
0x6b: {  	_ =	shalt  }
0x6c: {  	_ =	shalt  }
0x6d: {  	_ =	shalt  }
0x6e: {  	_ =	shalt  }
0x6f: {  	_ =	shalt  }
0x70: {  	_ =	shalt  }
0x71: {  	_ =	shalt  }
0x72: {  	_ =	shalt  }
0x73: {  	_ =	shalt  }
0x74: {  	_ =	shalt  }
0x75: {  	_ =	shalt  }
0x76: {  	_ =	shalt  }
0x77: {  	_ =	shalt  }
0x78: {  	_ =	shalt  }
0x79: {  	_ =	shalt  }
0x7a: {  	_ =	shalt  }
0x7b: {  	_ =	shalt  }
0x7c: {  	_ =	shalt  }
0x7d: {  	_ =	shalt  }
0x7e: {  	_ =	shalt  }
0x7f: {  	_ =	shalt  }
0x80: {  	_ =	shalt  }
0x81: {  	_ =	shalt  }
0x82: {  	_ =	shalt  }
0x83: {  	_ =	shalt  }
0x84: {  	_ =	shalt  }
0x85: {  	_ =	shalt  }
0x86: {  	_ =	shalt  }
0x87: {  	_ =	shalt  }
.Lfunc_end0:
.L_simem_size_0:
called_computation_lowered:
.L_overlay_start_0:
0x88: {  	s2 =	sld [smem:$0x3FD9]  }
0x89: {  	s3 =	sld [smem:$0x3FFE];
	_ =	sdelay $0x1  }
0x8a: {  	s1 =	srdreg.scid  }
0x8b: {  	s0 =	sand.u32 $0x1, s1  }
0x8c: {  	s18 =	sshll.u32 s0, $0xA;
	s2 =	sadd.s32 s3, s2  }
0x8d: {  	s2 =	sadd.s32 s2, s18  }
0x8e: {  	[smem:$0x3FC6] =	sst s2  }
0x8f: {  	_ = 	snop  }
0x90: {  	s2 =	sld [smem:$0x3FC9]  }
0x91: {  	s19 =	sld [smem:$0x3FC8]  }
0x92: {  	s4 =	sld [smem:$0x3FD0];
	(tm) =	ssettm $0x1  }
0x93: {  	s5 =	sld [smem:$0x3FFB];
	_ =	sdelay $0x3  }
0x94: {  	_ =	strace s5  }
0x95: {  	s5 =	sld [smem:$0x3FFC];
	_ =	sdelay $0x3  }
0x96: {  	_ =	strace s5  }
0x97: {  	s5 =	sld [smem:$0x3FFD];
	_ =	sdelay $0x3  }
0x98: {  	_ =	strace s5  }
0x99: {  	_ =	strace $0x8FFFFFFF  }
0x9a: {  	s20 =	sld [smem:$0x3FDB];
	_ =	sdelay $0x1  }
0x9b: {  	s6 =	simm.s32 $_scs_section_size  }
0x9c: {  	s7 =	simm.s32 $_size__tile_overlayer_lowered;
	s8 =	simm.s32 $_tile_overlayer_lowered  }
0x9d: {  	s23 =	simm.s32 $0x1BFF;
	s22 =	sshll.u32 s8, $0x1;
	s5 =	sadd.s32 s6, s20  }
0x9e: {  	s9 =	simm.s32 $0x0;
	s21 =	sshll.u32 s7, $0x1;
	s7 =	sadd.s32 s22, s5  }
0x9f: {  	[timem:s9], [sflag:s23] =	dma.local [hbm:s7], s21  }
0xa0: {  	_ =	swait.ge [sflag:s23], s21  }
0xa1: {  	s6 =	ssub.s32 $0x0, s21;
	[sflag:s23] =	ssyncset.done $0x0  }
0xa2: {  	[sflag:s23] =	ssyncadd.s32 s6;
	_ =	sdelay $0x1  }
0xa3: {  	s24 =	simm.s32 $0x1B8B  }
0xa4: {  	_ =	swait.ge [sflag:s24], $0x1  }
0xa5: {  	[sflag:s24] =	ssyncset.done $0x0  }
0xa6: {  	s25 =	simm.s32 $0x1B8E;
	[sflag:s24] =	ssyncadd.s32 $0xFFFFFFFF  }
0xa7: {  	s26 =	simm.s32 $execute0_lowered;
	[smem:$0x3FD2] =	sst s25  }
0xa8: {  	s6 =	sshll.u32 s26, $0x1;
	_ =	strace $0x80000046;
	[dreg:$0x1] =	wrdreg $0xFFFFFFFF  }
0xa9: {  	s28 =	simm.s32 $_size_execute0_lowered;
	s5 =	sadd.s32 s5, s6;
	[dreg:$0x0] =	wrdreg $0x0  }
0xaa: {  	s6 =	sshll.u32 s28, $0x1;
	[dreg:$0x2] =	wrdreg s5  }
0xab: {  	[dreg:$0x3] =	wrdreg s6  }
0xac: {  	[dreg:$0x4] =	wrdreg $0xC0  }
0xad: {  	_ =	task [dreg:s9], $0x5FFFF  }
0xae: {  	[dreg:$0x1] =	wrdreg $0xFFFFFFFF  }
0xaf: {  	[dreg:$0x0] =	wrdreg $0x60  }
0xb0: {  	[dreg:$0x2] =	wrdreg s2  }
0xb1: {  	[dreg:$0x3] =	wrdreg s19  }
0xb2: {  	[dreg:$0x4] =	wrdreg s4  }
0xb3: {  	[dreg:$0x5] =	wrdreg $0x9  }
0xb4: {  	_ =	task.clear_ibuf [dreg:s9], $0x6FFFF;
	_ =	strace $0x90000046  }
0xb5: {  	s29 =	simm.s32 $0x9;
	_ =	strace $0x80000048  }
0xb6: {  	_ =	swait.ge [sflag:s29], $0x1  }
0xb7: {  	[sflag:s29] =	ssyncadd.s32 $0xFFFFFFFF  }
0xb8: {  	_ =	strace $0x90000048  }
0xb9: {  	_ =	sfence  }
0xba: {  	s30 =	sld [smem:$0x0];
	_ =	sdelay $0x2  }
0xbb: {  	s31 =	sshll.u32 s1, $0xD;
	s1 =	sshrl.u32 s1, $0x2  }
0xbc: {  	s3 =	sand.u32 $0x4000, s31;
	s1 =	sadd.s32 s1, s30  }
0xbd: {  	s0 =	sor.u32 s3, s0;
	s1 =	sshll.u32 s1, $0x11  }
0xbe: {  	s0 =	sor.u32 s1, s0  }
0xbf: {  	s0 =	sadd.s32 $0x8F2B, s0  }
0xc0: {  	[sflag:s0] =	ssyncadd.remote.s32 $0x1  }
0xc1: {  	_ =	sfence.sel $0xFFFF  }
0xc2: {  	[dreg:$0x0] =	wrdreg $0xFFFFFFFF;
	(pc) =	sbr.abs _section_cstart, $3  }
0xc3: {  	[dreg:$0x1] =	wrdreg $0xFFFFFFFF  }
0xc4: {  	_ =	task.clear_ibuf [dreg:s9], $0x2FFFF;
	_ =	strace $0x9FFFFFFF  }
0xc5: {  	(tm) =	ssettm $0x7FFFFFFF  }
tec
execute0_lowered:
.L_overlay_start_1:
0x0: {  	(tag) =	ssettag $0x1  }
0x1: {  	s0 =	rddreg [dreg:$0x0]  }
0x2: {  	s2 =	rddreg [dreg:$0x1]  }
0x3: {  	s3 =	rddreg [dreg:$0x2]  }
0x4: {  	s1 =	srdreg.scid;
	s9 =	stileid.u32;
	s4 =	simm.s32 $0x0  }
0x5: {  	s17 =	simm.s32 $0x9;
	s18 =	simm.s32 $0x80;
	s28 =	simm.s32 $0x3  }
0x6: {  	s29 =	simm.s32 $0x5;
	s31 =	simm.s32 $0x4;
	s15 =	simm.s32 $0x7  }
0x7: {  	s16 =	simm.s32 $0x8;
	s1 =	sand.u32 $0x1, s1;
	s6 =	sshll.u32 s9, $0x1  }
0x8: {  	[smem:$0x7FF] =	sst s4;
	s21 =	sshll.u32 s9, $0xF;
	s5 =	ssub.s32 $0x2, s1  }
0x9: {  	s8 =	sor.u32 s1, s6;
	_ =	strace $0x80000047;
	s1 =	sshll.u32 s1, $0xE  }
0xa: {  	s7 =	sshrl.u32 s5, $0x1;
	s6 =	sshll.u32 s8, $0x7;
	s20 =	sshll.u32 s8, $0xB  }
0xb: {  	s22 =	sor.u32 s1, s21;
	s21 =	simm.s32 $0x1;
	s5 =	ssub.s32 s5, s7  }
0xc: {  	s0 =	sadd.s32 s0, s6;
	s6 =	sadd.s32 $0x10000, s3;
	s8 =	sadd.s32 s3, s20  }
0xd: {  	s24 =	sor.u32 $0x380000, s22;
	s1 =	sor.u32 $0x200000, s22;
	[dreg:$0x4] =	wrdreg s0  }
0xe: {  	s19 =	smax.u32 s5, $0x1;
	s0 =	sadd.s32 s20, s6;
	s23 =	sadd.s32 $0x20000, s8  }
0xf: {  	s5 =	sor.u32 $0x300000, s22;
	s25 =	sadd.s32 $0x30000, s8;
	[dreg:$0x5] =	wrdreg s19  }
.Ltmp0:
0x10: {  	s26 =	sshrl.u32 s24, $0x3;
	[dreg:$0x6] =	wrdreg s0;
	(pc) =	sbr.rel .LBB2_1-.Ltmp0, $4  }
0x11: {  	s20 =	simm.s32 $0xA400;
	s24 =	simm.s32 $0x2;
	[dreg:$0x7] =	wrdreg s23  }
0x12: {  	s22 =	simm.s32 $0x0;
	[dreg:$0x8] =	wrdreg s25;
	s5 =	sshrl.u32 s5, $0x3  }
0x13: {  	s30 =	sadd.s32 s26, s3;
	s19 =	simm.s32 $0x6400;
	s23 =	simm.s32 $0xE400  }
0x14: {  	s26 =	simm.s32 $0x12400;
	s0 =	simm.s32 $0x6;
	s25 =	sadd.s32 s5, s3  }
.LBB2_4:
0x15: {  	_ =	swait.ge [sflag:s29], $0x4000  }
0x16: {  	[sflag:s29] =	ssyncset.done $0x0  }
0x17: {  	[sflag:s29] =	ssyncadd.s32 $0xFFFFC000  }
0x18: {  	_ =	swait.ge [sflag:s0], $0x4000  }
0x19: {  	[sflag:s0] =	ssyncset.done $0x0  }
0x1a: {  	[sflag:s0] =	ssyncadd.s32 $0xFFFFC000  }
0x1b: {  	_ =	swait.ge [sflag:s15], $0x4000  }
0x1c: {  	[sflag:s15] =	ssyncset.done $0x0  }
0x1d: {  	[sflag:s15] =	ssyncadd.s32 $0xFFFFC000  }
0x1e: {  	_ =	swait.ge [sflag:s16], $0x4000  }
0x1f: {  	s22 =	sadd.s32 $0x1, s22;
	s5 =	rddreg [dreg:$0x5]  }
0x20: {  	p0 =	sne.s32 s22, s5  }
.Ltmp1:
0x21: {  	_ = 	snop;
	(pc) =	sbr.rel @!p0 .LBB2_5-.Ltmp1, $3  }
0x22: {  	_ =	sdelay $0x1  }
0x23: {  	[sflag:s16] =	ssyncset.done $0x0  }
0x24: {  	[sflag:s16] =	ssyncadd.s32 $0xFFFFC000  }
.LBB2_1:
0x25: {  	s5 =	rddreg [dreg:$0x4];
	s7 =	simm.s32 $0x400;
	s9 =	simm.s32 $0x8000  }
0x26: {  	[tilespmem:s4], [sflag:$0x9] =	stream.strided.gather [hbm4b:s5+s7], $0x6400, s9, s7, $0x38;
	[tilespmem:$0x16400] =	vst v63  }
0x27: {  	_ =	swait.ge [sflag:s17], $0x6400  }
0x28: {  	[sflag:s17] =	ssyncset.done $0x0  }
0x29: {  	[sflag:s17] =	ssyncadd.s32 $0xFFFF9C00  }
0x2a: {  	[tilespmem:s19], [sflag:$0x1] =	stream.indirect.gather [hbm4b:s2+s18], $0x80, s4, s18, $0xb8;
	[tilespmem:$0x16400] =	vst v63  }
0x2b: {  	_ = 	snop  }
0x2c: {  	[tilespmem:s20], [sflag:$0x2] =	stream.indirect.gather [hbm4b:s2+s18], $0x80, s18, s18, $0xb8;
	[tilespmem:$0x16400] =	vst v63  }
0x2d: {  	_ =	swait.ge [sflag:s21], $0x4000  }
0x2e: {  	[sflag:s21] =	ssyncset.done $0x0  }
0x2f: {  	[sflag:s21] =	ssyncadd.s32 $0xFFFFC000  }
0x30: {  	[hbm4b:s8+s4] =	stream.linear.scatter [tilespmem:s19], [sflag:$0x5], $0x4000, $0x38;
	[tilespmem:$0x16400] =	vst v63  }
0x31: {  	s7 =	simm.s32 $0x100  }
0x32: {  	[tilespmem:s23], [sflag:$0x3] =	stream.indirect.gather [hbm4b:s2+s18], $0x80, s7, s18, $0xb8;
	[tilespmem:$0x16400] =	vst v63  }
0x33: {  	_ =	swait.ge [sflag:s24], $0x4000  }
0x34: {  	[sflag:s24] =	ssyncset.done $0x0  }
0x35: {  	s9 =	rddreg [dreg:$0x6];
	[sflag:s24] =	ssyncadd.s32 $0xFFFFC000  }
0x36: {  	[hbm4b:s9+s4] =	stream.linear.scatter [tilespmem:s20], [sflag:$0x6], $0x4000, $0x38;
	[tilespmem:$0x16400] =	vst v63  }
0x37: {  	s10 =	simm.s32 $0x180  }
0x38: {  	[tilespmem:s26], [sflag:$0x4] =	stream.indirect.gather [hbm4b:s2+s18], $0x80, s10, s18, $0xb8;
	[tilespmem:$0x16400] =	vst v63  }
0x39: {  	_ =	swait.ge [sflag:s28], $0x4000  }
0x3a: {  	[sflag:s28] =	ssyncset.done $0x0  }
0x3b: {  	s11 =	rddreg [dreg:$0x7];
	[sflag:s28] =	ssyncadd.s32 $0xFFFFC000  }
0x3c: {  	[hbm4b:s11+s4] =	stream.linear.scatter [tilespmem:s23], [sflag:$0x7], $0x4000, $0x38;
	[tilespmem:$0x16400] =	vst v63  }
0x3d: {  	_ =	swait.ge [sflag:s29], $0x4000  }
0x3e: {  	[sflag:s29] =	ssyncset.done $0x0  }
0x3f: {  	s12 =	simm.s32 $0x200;
	[sflag:s29] =	ssyncadd.s32 $0xFFFFC000  }
0x40: {  	[tilespmem:s19], [sflag:$0x1] =	stream.indirect.gather [hbm4b:s2+s18], $0x80, s12, s18, $0xb8;
	[tilespmem:$0x16400] =	vst v63  }
0x41: {  	_ =	swait.ge [sflag:s31], $0x4000  }
0x42: {  	[sflag:s31] =	ssyncset.done $0x0  }
0x43: {  	s13 =	rddreg [dreg:$0x8];
	[sflag:s31] =	ssyncadd.s32 $0xFFFFC000  }
0x44: {  	[hbm4b:s13+s4] =	stream.linear.scatter [tilespmem:s26], [sflag:$0x8], $0x4000, $0x38;
	[tilespmem:$0x16400] =	vst v63  }
0x45: {  	_ =	swait.ge [sflag:s0], $0x4000  }
0x46: {  	[sflag:s0] =	ssyncset.done $0x0  }
0x47: {  	s14 =	simm.s32 $0x280;
	s5 =	simm.s32 $0x0;
	[sflag:s0] =	ssyncadd.s32 $0xFFFFC000  }
0x48: {  	[tilespmem:s20], [sflag:$0x2] =	stream.indirect.gather [hbm4b:s2+s18], $0x80, s14, s18, $0xb8;
	[tilespmem:$0x16400] =	vst v63  }
0x49: {  	s12 =	smov.u32 s1;
	s13 =	smov.u32 s30;
	s14 =	smov.u32 s25  }
.LBB2_2:
0x4a: {  	_ =	swait.ge [sflag:s21], $0x4000  }
0x4b: {  	s9 =	sshrl.u32 s12, $0x3;
	[sflag:s21] =	ssyncset.done $0x0  }
0x4c: {  	s7 =	sadd.s32 s3, s9;
	[sflag:s21] =	ssyncadd.s32 $0xFFFFC000  }
0x4d: {  	[hbm4b:s7+s4] =	stream.linear.scatter [tilespmem:s19], [sflag:$0x5], $0x4000, $0x38;
	[tilespmem:$0x16400] =	vst v63  }
0x4e: {  	_ =	swait.ge [sflag:s15], $0x4000  }
0x4f: {  	s7 =	sshra.s32 s5, $0x2;
	[sflag:s15] =	ssyncset.done $0x0  }
0x50: {  	s10 =	sadd.s32 $0x300, s7;
	[sflag:s15] =	ssyncadd.s32 $0xFFFFC000  }
0x51: {  	[tilespmem:s23], [sflag:$0x3] =	stream.indirect.gather [hbm4b:s2+s18], $0x80, s10, s18, $0xb8;
	[tilespmem:$0x16400] =	vst v63  }
0x52: {  	_ =	swait.ge [sflag:s24], $0x4000  }
0x53: {  	[sflag:s24] =	ssyncset.done $0x0  }
0x54: {  	s9 =	sadd.s32 s9, s6;
	[sflag:s24] =	ssyncadd.s32 $0xFFFFC000  }
0x55: {  	[hbm4b:s9+s4] =	stream.linear.scatter [tilespmem:s20], [sflag:$0x6], $0x4000, $0x38;
	[tilespmem:$0x16400] =	vst v63  }
0x56: {  	_ =	swait.ge [sflag:s16], $0x4000  }
0x57: {  	[sflag:s16] =	ssyncset.done $0x0  }
0x58: {  	s11 =	sadd.s32 $0x380, s7;
	[sflag:s16] =	ssyncadd.s32 $0xFFFFC000  }
0x59: {  	[tilespmem:s26], [sflag:$0x4] =	stream.indirect.gather [hbm4b:s2+s18], $0x80, s11, s18, $0xb8;
	[tilespmem:$0x16400] =	vst v63  }
0x5a: {  	_ =	swait.ge [sflag:s28], $0x4000  }
0x5b: {  	p0 =	seq.s32 s5, $0x18000;
	[sflag:s28] =	ssyncset.done $0x0  }
0x5c: {  	s9 =	simm.s32 @!p0 $0x5;
	[sflag:s28] =	ssyncadd.s32 $0xFFFFC000  }
0x5d: {  	[hbm4b:s14+s4] =	stream.linear.scatter [tilespmem:s23], [sflag:$0x7], $0x4000, $0x38;
	[tilespmem:$0x16400] =	vst v63  }
0x5e: {  	_ =	swait.ge @!p0 [sflag:s9], $0x4000  }
0x5f: {  	[sflag:s9] =	ssyncset.done @!p0 $0x0  }
0x60: {  	[sflag:s9] =	ssyncadd.s32 @!p0 $0xFFFFC000;
	s9 =	sshra.s32 @!p0 s5, $0x2  }
0x61: {  	s10 =	simm.s32 @!p0 $0x80;
	s11 =	simm.s32 @!p0 $0x6400;
	s9 =	sadd.s32 @!p0 $0x400, s9  }
0x62: {  	[tilespmem:s11], [sflag:$0x1] =	stream.indirect.gather @!p0 [hbm4b:s2+s10], $0x80, s9, s10, $0xb8;
	[tilespmem:$0x16400] =	vst v63  }
.Ltmp2:
0x63: {  	_ = 	snop;
	(pc) =	sbr.rel @p0 .LBB2_4-.Ltmp2, $4  }
0x64: {  	_ =	swait.ge [sflag:s31], $0x4000  }
0x65: {  	[sflag:s31] =	ssyncset.done $0x0  }
0x66: {  	[sflag:s31] =	ssyncadd.s32 $0xFFFFC000  }
0x67: {  	[hbm4b:s13+s4] =	stream.linear.scatter [tilespmem:s26], [sflag:$0x8], $0x4000, $0x38;
	[tilespmem:$0x16400] =	vst v63  }
.Ltmp3:
0x68: {  	(pc) =	sbr.rel .LBB2_2-.Ltmp3, $4  }
0x69: {  	_ =	swait.ge [sflag:s0], $0x4000;
	s7 =	sadd.s32 $0x480, s7  }
0x6a: {  	s5 =	sadd.s32 $0x800, s5;
	s12 =	sadd.s32 $0x200000, s12;
	[sflag:s0] =	ssyncset.done $0x0  }
0x6b: {  	s13 =	sadd.s32 $0x40000, s13;
	s14 =	sadd.s32 $0x40000, s14;
	[sflag:s0] =	ssyncadd.s32 $0xFFFFC000  }
0x6c: {  	[tilespmem:s20], [sflag:$0x2] =	stream.indirect.gather [hbm4b:s2+s18], $0x80, s7, s18, $0xb8;
	[tilespmem:$0x16400] =	vst v63  }
.LBB2_5:
0x6d: {  	_ =	sfence.sel $0x180000  }
0x6e: {  	[bflag:$0x0] =	sbarrier.arrive $0xFFFF  }
0x6f: {  	_ =	strace $0x90000047  }
0x70: {  	s0 =	stileid.u32;
	[bflag:$0x2] =	sbarrier.arrive $0xFFFF  }
0x71: {  	p0 =	sne.s32 s0, $0x0;
	s0 =	rddreg [dreg:$0x3]  }
0x72: {  	s0 =	sadd.s32 @!p0 $0x100000, s0  }
0x73: {  	[sflag:s0] =	ssyncadd.tile.s32 @!p0 $0x1;
	_ =	shalt  }
.Lfunc_end2:
_tile_overlayer_lowered:
.L_overlay_start_2:
0x74: {  	(tag) =	ssettag $0x2  }
0x75: {  	s0 =	rddreg [dreg:$0x0];
	s2 =	stileid.u32  }
0x76: {  	s1 =	rddreg [dreg:$0x1];
	p0 =	sne.s32 s2, $0x0  }
0x77: {  	s3 =	rddreg [dreg:$0x2];
	[bflag:$0x3] =	sbarrier.arrive $0xFFFF;
	s2 =	simm.s32 @!p0 $0x1C09  }
0x78: {  	[timem:s3], [sflag:s2] =	dma.local @!p0 [hbm:s0], s1  }
0x79: {  	s0 =	simm.s32 @!p0 $0x9  }
0x7a: {  	_ =	swait.ge @!p0 [sflag:s0], s1  }
0x7b: {  	s1 =	ssub.s32 @!p0 $0x0, s1;
	[sflag:s0] =	ssyncset.done @!p0 $0x0  }
0x7c: {  	[sflag:s0] =	ssyncadd.s32 @!p0 s1  }
0x7d: {  	[bflag:$0x3] =	sbarrier.arrive $0xFFFF  }
0x7e: {  	_ =	shalt  }

</sc_bundles>
